<compile_context>
chip_gen: v7x
topology: tpu7x:2x2x1
jax: 0.10.2.dev20260603
libtpu: 0.0.44.dev20260713+nightly
codegen_flags: <defaults>
</compile_context>

<pallas_src>
import functools

import jax
import jax.numpy as jnp
from jax import lax
from jax.experimental import pallas as pl
from jax.experimental.pallas import tpu as pltpu
from jax.experimental.pallas import tpu_sc as plsc

SEQ_LEN = 512
BATCH = 16
LANES = 16
HALF = SEQ_LEN // 2
START_VALUE = 101
END_VALUE = 102
BUDGET = SEQ_LEN - 3


def _packer_body(tokens_a_hbm, len_a_hbm, tokens_b_hbm, len_b_hbm,
                 out_tok_hbm, out_mask_hbm, out_seg_hbm,
                 a_v, b_v, la_v, lb_v, tok_v, mask_v, seg_v, sem):
    core = lax.axis_index("c")
    row = lax.axis_index("s")

    cp_la = pltpu.async_copy(len_a_hbm, la_v, sem)
    cp_lb = pltpu.async_copy(len_b_hbm, lb_v, sem)
    cp_a = pltpu.async_copy(tokens_a_hbm.at[row], a_v, sem)
    cp_b = pltpu.async_copy(tokens_b_hbm.at[row], b_v, sem)
    cp_la.wait()
    cp_lb.wait()

    zeros = jnp.zeros((LANES,), jnp.int32)
    row_idx = zeros + row
    la = plsc.load_gather(la_v, [row_idx])
    lb = plsc.load_gather(lb_v, [row_idx])
    l1 = jnp.minimum(la, BUDGET)
    l2 = jnp.minimum(lb, BUDGET - l1)
    b0 = l1 + 2
    e = b0 + l2
    zero = jnp.int32(0)

    base = core * HALF

    @plsc.parallel_loop(0, HALF, LANES, unroll=2)
    def mask_chunk(off):
        pos = base + off + lax.iota(jnp.int32, LANES)
        sl = pl.ds(off, LANES)
        mask_v[sl] = (pos <= e).astype(jnp.int32)
        seg_v[sl] = ((pos >= b0) & (pos <= e)).astype(jnp.int32)
    cp_m = pltpu.async_copy(mask_v, out_mask_hbm.at[row, pl.ds(base, HALF)], sem)
    cp_s = pltpu.async_copy(seg_v, out_seg_hbm.at[row, pl.ds(base, HALF)], sem)

    cp_a.wait()
    cp_b.wait()

    @plsc.parallel_loop(0, HALF, LANES, unroll=2)
    def tok_chunk(off):
        pos = base + off + lax.iota(jnp.int32, LANES)
        ga = plsc.load_gather(a_v, [jnp.maximum(pos - 1, zero)])
        gb = plsc.load_gather(b_v, [jnp.maximum(pos - b0, zero)])

        tok = jnp.where(
            pos == 0, START_VALUE,
            jnp.where(pos <= l1, ga,
                      jnp.where(pos == l1 + 1, END_VALUE,
                                jnp.where(pos < e, gb,
                                          jnp.where(pos == e, END_VALUE, 0)))))

        tok_v[pl.ds(off, LANES)] = tok.astype(jnp.int32)

    cp_t = pltpu.async_copy(tok_v, out_tok_hbm.at[row, pl.ds(base, HALF)], sem)
    cp_m.wait()
    cp_s.wait()
    cp_t.wait()


_packer = functools.partial(
    pl.kernel,
    out_type=(
        jax.ShapeDtypeStruct((BATCH, SEQ_LEN), jnp.int32),
        jax.ShapeDtypeStruct((BATCH, SEQ_LEN), jnp.int32),
        jax.ShapeDtypeStruct((BATCH, SEQ_LEN), jnp.int32),
    ),
    mesh=plsc.VectorSubcoreMesh(
        core_axis_name="c", subcore_axis_name="s",
        num_cores=2, num_subcores=16),
    scratch_types=[
        pltpu.VMEM((SEQ_LEN,), jnp.int32),
        pltpu.VMEM((SEQ_LEN,), jnp.int32),
        pltpu.VMEM((BATCH,), jnp.int32),
        pltpu.VMEM((BATCH,), jnp.int32),
        pltpu.VMEM((HALF,), jnp.int32),
        pltpu.VMEM((HALF,), jnp.int32),
        pltpu.VMEM((HALF,), jnp.int32),
        pltpu.SemaphoreType.DMA,
    ],
    compiler_params=pltpu.CompilerParams(needs_layout_passes=False),
)(_packer_body)


def kernel(tokens_a, len_a, tokens_b, len_b):
    return _packer(tokens_a, len_a, tokens_b, len_b)

# --- scband reference (transcript-rebuilt; emitter-appended) ---
"""Pipeline reference for scband-bert-packer-39651138077369 (READ-ONLY COPY).

The authoritative reference and input builder live on the scoring server;
editing this copy changes nothing except your own understanding.
"""

import jax, jax.numpy as jnp
import numpy as np

SEQ_LEN = 512
START_VALUE = 101
END_VALUE = 102
PAD_VALUE = 0


def setup_inputs(seed: int = 0) -> dict:
    key = jax.random.key(seed)
    k1, k2, k3, k4 = jax.random.split(key, 4)
    tokens_a = jax.random.randint(k1, (16, 512), 0, 30000, dtype=jnp.int32)
    len_a = jax.random.randint(k2, (16,), 0, 512, dtype=jnp.int32)
    tokens_b = jax.random.randint(k3, (16, 512), 0, 30000, dtype=jnp.int32)
    len_b = jax.random.randint(k4, (16,), 0, 512, dtype=jnp.int32)
    return {"tokens_a": tokens_a, "len_a": len_a, "tokens_b": tokens_b, "len_b": len_b}


def reference(tokens_a, len_a, tokens_b, len_b):
    # BertPacker with truncator='waterfall', two input segments.
    # Ragged inputs are represented as dense [B, max_len] buffers + row lengths.
    # budget = sequence_length - num_special_tokens; num_special = n_segments + 1 = 3
    budget = SEQ_LEN - 3
    # Waterfall trimming: left-to-right allocation of the budget.
    l1 = jnp.minimum(len_a, budget)
    l2 = jnp.minimum(len_b, budget - l1)
    max_a = tokens_a.shape[1]
    max_b = tokens_b.shape[1]
    pos = jnp.arange(SEQ_LEN, dtype=jnp.int32)[None, :]  # [1, S]
    l1b = l1[:, None]
    l2b = l2[:, None]
    # Gather candidate tokens for every output position (clipped, masked later).
    idx_a = jnp.clip(pos - 1, 0, max_a - 1)
    ga = jnp.take_along_axis(tokens_a, jnp.broadcast_to(idx_a, (tokens_a.shape[0], SEQ_LEN)), axis=1)
    idx_b = jnp.clip(pos - (l1b + 2), 0, max_b - 1)
    gb = jnp.take_along_axis(tokens_b, idx_b, axis=1)
    # Layout: [START] seg_a [END] seg_b [END] [PAD...]
    is_start = pos == 0
    is_a = (pos >= 1) & (pos <= l1b)
    is_end1 = pos == (l1b + 1)
    is_b = (pos >= (l1b + 2)) & (pos <= (l1b + 1 + l2b))
    is_end2 = pos == (l1b + l2b + 2)
    tokens = jnp.where(
        is_start, START_VALUE,
        jnp.where(is_a, ga,
                  jnp.where(is_end1, END_VALUE,
                            jnp.where(is_b, gb,
                                      jnp.where(is_end2, END_VALUE, PAD_VALUE)))))
    valid = is_start | is_a | is_end1 | is_b | is_end2
    padding_mask = valid.astype(jnp.int32)
    # segment ids: 0 for [START]+seg_a+[END1], 1 for seg_b+[END2], 0 for padding
    segment_ids = jnp.where(is_b | is_end2, 1, 0).astype(jnp.int32)
    return (tokens.astype(jnp.int32), padding_mask, segment_ids)

if __name__ == "__main__":
    import jax
    _d = setup_inputs()
    print(jax.jit(kernel)(*tuple(_d.values())))

</pallas_src>

<mosaic_0001>
#map = affine_map<(d0, d1) -> (0, 0)>
#map1 = affine_map<(d0, d1) -> (0)>
module attributes {stable_mosaic.version = 14 : i64} {
  func.func @_packer_body(%arg0: i32, %arg1: i32, %arg2: memref<16x512xi32, #tpu.memory_space<hbm>>, %arg3: memref<16xi32, #tpu.memory_space<hbm>>, %arg4: memref<16x512xi32, #tpu.memory_space<hbm>>, %arg5: memref<16xi32, #tpu.memory_space<hbm>>, %arg6: memref<16x512xi32, #tpu.memory_space<hbm>>, %arg7: memref<16x512xi32, #tpu.memory_space<hbm>>, %arg8: memref<16x512xi32, #tpu.memory_space<hbm>>, %arg9: memref<512xi32, #tpu.memory_space<vmem>>, %arg10: memref<512xi32, #tpu.memory_space<vmem>>, %arg11: memref<16xi32, #tpu.memory_space<vmem>>, %arg12: memref<16xi32, #tpu.memory_space<vmem>>, %arg13: memref<256xi32, #tpu.memory_space<vmem>>, %arg14: memref<256xi32, #tpu.memory_space<vmem>>, %arg15: memref<256xi32, #tpu.memory_space<vmem>>, %arg16: memref<!tpu.dma_semaphore, #tpu.memory_space<semaphore_mem>>) attributes {dimension_semantics = [#tpu.dimension_semantics<core_parallel>, #tpu.dimension_semantics<subcore_parallel>], iteration_bounds = array<i64: 2, 16>, scalar_prefetch = 0 : i64, scratch_operands = 8 : i64, tpu.core_type = #tpu.core_type<sc_vector_subcore>, window_params = [{transform_indices = #map}, {transform_indices = #map1}, {transform_indices = #map}, {transform_indices = #map1}, {transform_indices = #map}, {transform_indices = #map}, {transform_indices = #map}]} {
    tpu.enqueue_dma source(%arg3 : memref<16xi32, #tpu.memory_space<hbm>>) target(%arg11 : memref<16xi32, #tpu.memory_space<vmem>>) target_semaphore(%arg16 : memref<!tpu.dma_semaphore, #tpu.memory_space<semaphore_mem>>)
    tpu.enqueue_dma source(%arg5 : memref<16xi32, #tpu.memory_space<hbm>>) target(%arg12 : memref<16xi32, #tpu.memory_space<vmem>>) target_semaphore(%arg16 : memref<!tpu.dma_semaphore, #tpu.memory_space<semaphore_mem>>)
    %dma_start3A = arith.constant 0 : i32
    %dma_start3A_0 = tpu.memref_slice %arg2[%arg1, %dma_start3A] : memref<16x512xi32, #tpu.memory_space<hbm>> -> memref<1x512xi32, #tpu.memory_space<hbm>>
    %dma_start3A_1 = tpu.memref_squeeze %dma_start3A_0 : memref<1x512xi32, #tpu.memory_space<hbm>> -> memref<512xi32, #tpu.memory_space<hbm>>
    %dma_start3A_2 = arith.constant 0 : i32
    %dma_start3A_3 = tpu.memref_slice %arg2[%arg1, %dma_start3A_2] : memref<16x512xi32, #tpu.memory_space<hbm>> -> memref<1x512xi32, #tpu.memory_space<hbm>>
    %dma_start3A_4 = tpu.memref_squeeze %dma_start3A_3 : memref<1x512xi32, #tpu.memory_space<hbm>> -> memref<512xi32, #tpu.memory_space<hbm>>
    tpu.enqueue_dma source(%dma_start3A_4 : memref<512xi32, #tpu.memory_space<hbm>>) target(%arg9 : memref<512xi32, #tpu.memory_space<vmem>>) target_semaphore(%arg16 : memref<!tpu.dma_semaphore, #tpu.memory_space<semaphore_mem>>)
    %dma_start3A_5 = arith.constant 0 : i32
    %dma_start3A_6 = tpu.memref_slice %arg4[%arg1, %dma_start3A_5] : memref<16x512xi32, #tpu.memory_space<hbm>> -> memref<1x512xi32, #tpu.memory_space<hbm>>
    %dma_start3A_7 = tpu.memref_squeeze %dma_start3A_6 : memref<1x512xi32, #tpu.memory_space<hbm>> -> memref<512xi32, #tpu.memory_space<hbm>>
    %dma_start3A_8 = arith.constant 0 : i32
    %dma_start3A_9 = tpu.memref_slice %arg4[%arg1, %dma_start3A_8] : memref<16x512xi32, #tpu.memory_space<hbm>> -> memref<1x512xi32, #tpu.memory_space<hbm>>
    %dma_start3A_10 = tpu.memref_squeeze %dma_start3A_9 : memref<1x512xi32, #tpu.memory_space<hbm>> -> memref<512xi32, #tpu.memory_space<hbm>>
    tpu.enqueue_dma source(%dma_start3A_10 : memref<512xi32, #tpu.memory_space<hbm>>) target(%arg10 : memref<512xi32, #tpu.memory_space<vmem>>) target_semaphore(%arg16 : memref<!tpu.dma_semaphore, #tpu.memory_space<semaphore_mem>>)
    tpu.wait_dma2 semaphore(%arg16 : memref<!tpu.dma_semaphore, #tpu.memory_space<semaphore_mem>>) src(%arg3 : memref<16xi32, #tpu.memory_space<hbm>>) dst(%arg11 : memref<16xi32, #tpu.memory_space<vmem>>)
    tpu.wait_dma2 semaphore(%arg16 : memref<!tpu.dma_semaphore, #tpu.memory_space<semaphore_mem>>) src(%arg5 : memref<16xi32, #tpu.memory_space<hbm>>) dst(%arg12 : memref<16xi32, #tpu.memory_space<vmem>>)
    %broadcast_in_dim3A = arith.constant 0 : i32
    %broadcast_in_dim3A_11 = vector.broadcast %broadcast_in_dim3A : i32 to vector<16xi32>
    %add3A = vector.broadcast %arg1 : i32 to vector<16xi32>
    %add3A_12 = arith.addi %broadcast_in_dim3A_11, %add3A : vector<16xi32>
    %gather3A = tpu.vector_load_idx %arg11[%add3A_12] : memref<16xi32, #tpu.memory_space<vmem>>[vector<16xi32>], vector<16xi32>,
    %gather3A_13 = tpu.vector_load_idx %arg12[%add3A_12] : memref<16xi32, #tpu.memory_space<vmem>>[vector<16xi32>], vector<16xi32>,
    %min3A = arith.constant 509 : i32
    %min3A_14 = vector.broadcast %min3A : i32 to vector<16xi32>
    %min3A_15 = arith.minsi %gather3A, %min3A_14 : vector<16xi32>
    %sub3A = arith.constant 509 : i32
    %sub3A_16 = vector.broadcast %sub3A : i32 to vector<16xi32>
    %sub3A_17 = arith.subi %sub3A_16, %min3A_15 : vector<16xi32>
    %min3A_18 = arith.minsi %gather3A_13, %sub3A_17 : vector<16xi32>
    %add3A_19 = arith.constant 2 : i32
    %add3A_20 = vector.broadcast %add3A_19 : i32 to vector<16xi32>
    %add3A_21 = arith.addi %min3A_15, %add3A_20 : vector<16xi32>
    %add3A_22 = arith.addi %add3A_21, %min3A_18 : vector<16xi32>
    %mul3A = arith.constant 256 : i32
    %mul3A_23 = arith.muli %arg0, %mul3A : i32
    %parallel_loop3A = arith.constant 0 : i32
    %parallel_loop3A_24 = arith.constant 256 : i32
    %parallel_loop3A_25 = arith.constant 16 : i32
    scf.for %parallel_loop3A_65 = %parallel_loop3A to %parallel_loop3A_24 step %parallel_loop3A_25  : i32 {
      %parallel_loop3A_66 = arith.addi %mul3A_23, %parallel_loop3A_65 : i32
      %parallel_loop3A_67 = tpu.iota {dimensions = array<i32: 0>} : vector<16xi32>
      %parallel_loop3A_68 = vector.broadcast %parallel_loop3A_66 : i32 to vector<16xi32>
      %parallel_loop3A_69 = arith.addi %parallel_loop3A_68, %parallel_loop3A_67 : vector<16xi32>
      %parallel_loop3A_70 = arith.cmpi sle, %parallel_loop3A_69, %add3A_22 : vector<16xi32>
      %parallel_loop3A_71 = arith.extui %parallel_loop3A_70 : vector<16xi1> to vector<16xi32>
      %parallel_loop3A_72 = arith.index_cast %parallel_loop3A_65 : i32 to index
      %parallel_loop3A_73 = tpu.vector_load %arg14[%parallel_loop3A_72] {strides = array<i32>} : memref<256xi32, #tpu.memory_space<vmem>>, vector<16xi32>,
      tpu.vector_store %arg14[%parallel_loop3A_72], %parallel_loop3A_71 {strides = array<i32>} : memref<256xi32, #tpu.memory_space<vmem>>, vector<16xi32>,
      %parallel_loop3A_74 = arith.cmpi sge, %parallel_loop3A_69, %add3A_21 : vector<16xi32>
      %parallel_loop3A_75 = arith.cmpi sle, %parallel_loop3A_69, %add3A_22 : vector<16xi32>
      %parallel_loop3A_76 = arith.andi %parallel_loop3A_74, %parallel_loop3A_75 : vector<16xi1>
      %parallel_loop3A_77 = arith.extui %parallel_loop3A_76 : vector<16xi1> to vector<16xi32>
      %parallel_loop3A_78 = arith.index_cast %parallel_loop3A_65 : i32 to index
      %parallel_loop3A_79 = tpu.vector_load %arg15[%parallel_loop3A_78] {strides = array<i32>} : memref<256xi32, #tpu.memory_space<vmem>>, vector<16xi32>,
      tpu.vector_store %arg15[%parallel_loop3A_78], %parallel_loop3A_77 {strides = array<i32>} : memref<256xi32, #tpu.memory_space<vmem>>, vector<16xi32>,
    } {sc.loop_unroll_factor = 2 : i64, sc.parallel_access}
    %dma_start3A_26 = tpu.memref_slice %arg7[%arg1, %mul3A_23] : memref<16x512xi32, #tpu.memory_space<hbm>> -> memref<1x256xi32, #tpu.memory_space<hbm>>
    %dma_start3A_27 = tpu.memref_squeeze %dma_start3A_26 : memref<1x256xi32, #tpu.memory_space<hbm>> -> memref<256xi32, #tpu.memory_space<hbm>>
    %dma_start3A_28 = tpu.memref_slice %arg7[%arg1, %mul3A_23] : memref<16x512xi32, #tpu.memory_space<hbm>> -> memref<1x256xi32, #tpu.memory_space<hbm>>
    %dma_start3A_29 = tpu.memref_squeeze %dma_start3A_28 : memref<1x256xi32, #tpu.memory_space<hbm>> -> memref<256xi32, #tpu.memory_space<hbm>>
    tpu.enqueue_dma source(%arg14 : memref<256xi32, #tpu.memory_space<vmem>>) target(%dma_start3A_29 : memref<256xi32, #tpu.memory_space<hbm>>) target_semaphore(%arg16 : memref<!tpu.dma_semaphore, #tpu.memory_space<semaphore_mem>>)
    %dma_start3A_30 = tpu.memref_slice %arg8[%arg1, %mul3A_23] : memref<16x512xi32, #tpu.memory_space<hbm>> -> memref<1x256xi32, #tpu.memory_space<hbm>>
    %dma_start3A_31 = tpu.memref_squeeze %dma_start3A_30 : memref<1x256xi32, #tpu.memory_space<hbm>> -> memref<256xi32, #tpu.memory_space<hbm>>
    %dma_start3A_32 = tpu.memref_slice %arg8[%arg1, %mul3A_23] : memref<16x512xi32, #tpu.memory_space<hbm>> -> memref<1x256xi32, #tpu.memory_space<hbm>>
    %dma_start3A_33 = tpu.memref_squeeze %dma_start3A_32 : memref<1x256xi32, #tpu.memory_space<hbm>> -> memref<256xi32, #tpu.memory_space<hbm>>
    tpu.enqueue_dma source(%arg15 : memref<256xi32, #tpu.memory_space<vmem>>) target(%dma_start3A_33 : memref<256xi32, #tpu.memory_space<hbm>>) target_semaphore(%arg16 : memref<!tpu.dma_semaphore, #tpu.memory_space<semaphore_mem>>)
    %dma_wait3A = arith.constant 0 : i32
    %dma_wait3A_34 = tpu.memref_slice %arg2[%arg1, %dma_wait3A] : memref<16x512xi32, #tpu.memory_space<hbm>> -> memref<1x512xi32, #tpu.memory_space<hbm>>
    %dma_wait3A_35 = tpu.memref_squeeze %dma_wait3A_34 : memref<1x512xi32, #tpu.memory_space<hbm>> -> memref<512xi32, #tpu.memory_space<hbm>>
    %dma_wait3A_36 = arith.constant 0 : i32
    %dma_wait3A_37 = tpu.memref_slice %arg2[%arg1, %dma_wait3A_36] : memref<16x512xi32, #tpu.memory_space<hbm>> -> memref<1x512xi32, #tpu.memory_space<hbm>>
    %dma_wait3A_38 = tpu.memref_squeeze %dma_wait3A_37 : memref<1x512xi32, #tpu.memory_space<hbm>> -> memref<512xi32, #tpu.memory_space<hbm>>
    tpu.wait_dma2 semaphore(%arg16 : memref<!tpu.dma_semaphore, #tpu.memory_space<semaphore_mem>>) src(%dma_wait3A_38 : memref<512xi32, #tpu.memory_space<hbm>>) dst(%arg9 : memref<512xi32, #tpu.memory_space<vmem>>)
    %dma_wait3A_39 = arith.constant 0 : i32
    %dma_wait3A_40 = tpu.memref_slice %arg4[%arg1, %dma_wait3A_39] : memref<16x512xi32, #tpu.memory_space<hbm>> -> memref<1x512xi32, #tpu.memory_space<hbm>>
    %dma_wait3A_41 = tpu.memref_squeeze %dma_wait3A_40 : memref<1x512xi32, #tpu.memory_space<hbm>> -> memref<512xi32, #tpu.memory_space<hbm>>
    %dma_wait3A_42 = arith.constant 0 : i32
    %dma_wait3A_43 = tpu.memref_slice %arg4[%arg1, %dma_wait3A_42] : memref<16x512xi32, #tpu.memory_space<hbm>> -> memref<1x512xi32, #tpu.memory_space<hbm>>
    %dma_wait3A_44 = tpu.memref_squeeze %dma_wait3A_43 : memref<1x512xi32, #tpu.memory_space<hbm>> -> memref<512xi32, #tpu.memory_space<hbm>>
    tpu.wait_dma2 semaphore(%arg16 : memref<!tpu.dma_semaphore, #tpu.memory_space<semaphore_mem>>) src(%dma_wait3A_44 : memref<512xi32, #tpu.memory_space<hbm>>) dst(%arg10 : memref<512xi32, #tpu.memory_space<vmem>>)
    %parallel_loop3A_45 = arith.constant 0 : i32
    %parallel_loop3A_46 = arith.constant 256 : i32
    %parallel_loop3A_47 = arith.constant 16 : i32
    %parallel_loop3A_48 = arith.constant 0 : i32
    scf.for %parallel_loop3A_65 = %parallel_loop3A_45 to %parallel_loop3A_46 step %parallel_loop3A_47  : i32 {
      %parallel_loop3A_66 = arith.addi %mul3A_23, %parallel_loop3A_65 : i32
      %parallel_loop3A_67 = tpu.iota {dimensions = array<i32: 0>} : vector<16xi32>
      %parallel_loop3A_68 = vector.broadcast %parallel_loop3A_66 : i32 to vector<16xi32>
      %parallel_loop3A_69 = arith.addi %parallel_loop3A_68, %parallel_loop3A_67 : vector<16xi32>
      %parallel_loop3A_70 = arith.constant 1 : i32
      %parallel_loop3A_71 = vector.broadcast %parallel_loop3A_70 : i32 to vector<16xi32>
      %parallel_loop3A_72 = arith.subi %parallel_loop3A_69, %parallel_loop3A_71 : vector<16xi32>
      %parallel_loop3A_73 = vector.broadcast %parallel_loop3A_48 : i32 to vector<16xi32>
      %parallel_loop3A_74 = arith.maxsi %parallel_loop3A_72, %parallel_loop3A_73 : vector<16xi32>
      %parallel_loop3A_75 = tpu.vector_load_idx %arg9[%parallel_loop3A_74] : memref<512xi32, #tpu.memory_space<vmem>>[vector<16xi32>], vector<16xi32>,
      %parallel_loop3A_76 = arith.subi %parallel_loop3A_69, %add3A_21 : vector<16xi32>
      %parallel_loop3A_77 = vector.broadcast %parallel_loop3A_48 : i32 to vector<16xi32>
      %parallel_loop3A_78 = arith.maxsi %parallel_loop3A_76, %parallel_loop3A_77 : vector<16xi32>
      %parallel_loop3A_79 = tpu.vector_load_idx %arg10[%parallel_loop3A_78] : memref<512xi32, #tpu.memory_space<vmem>>[vector<16xi32>], vector<16xi32>,
      %parallel_loop3A_80 = arith.constant 0 : i32
      %parallel_loop3A_81 = vector.broadcast %parallel_loop3A_80 : i32 to vector<16xi32>
      %parallel_loop3A_82 = arith.cmpi eq, %parallel_loop3A_69, %parallel_loop3A_81 : vector<16xi32>
      %parallel_loop3A_83 = arith.cmpi sle, %parallel_loop3A_69, %min3A_15 : vector<16xi32>
      %parallel_loop3A_84 = arith.constant 1 : i32
      %parallel_loop3A_85 = vector.broadcast %parallel_loop3A_84 : i32 to vector<16xi32>
      %parallel_loop3A_86 = arith.addi %min3A_15, %parallel_loop3A_85 : vector<16xi32>
      %parallel_loop3A_87 = arith.cmpi eq, %parallel_loop3A_69, %parallel_loop3A_86 : vector<16xi32>
      %parallel_loop3A_88 = arith.cmpi slt, %parallel_loop3A_69, %add3A_22 : vector<16xi32>
      %parallel_loop3A_89 = arith.cmpi eq, %parallel_loop3A_69, %add3A_22 : vector<16xi32>
      %parallel_loop3A_90 = arith.constant 102 : i32
      %parallel_loop3A_91 = arith.constant 0 : i32
      %parallel_loop3A_92 = vector.broadcast %parallel_loop3A_90 : i32 to vector<16xi32>
      %parallel_loop3A_93 = vector.broadcast %parallel_loop3A_91 : i32 to vector<16xi32>
      %parallel_loop3A_94 = arith.select %parallel_loop3A_89, %parallel_loop3A_92, %parallel_loop3A_93 : vector<16xi1>, vector<16xi32>
      %parallel_loop3A_95 = arith.select %parallel_loop3A_88, %parallel_loop3A_79, %parallel_loop3A_94 : vector<16xi1>, vector<16xi32>
      %parallel_loop3A_96 = arith.constant 102 : i32
      %parallel_loop3A_97 = vector.broadcast %parallel_loop3A_96 : i32 to vector<16xi32>
      %parallel_loop3A_98 = arith.select %parallel_loop3A_87, %parallel_loop3A_97, %parallel_loop3A_95 : vector<16xi1>, vector<16xi32>
      %parallel_loop3A_99 = arith.select %parallel_loop3A_83, %parallel_loop3A_75, %parallel_loop3A_98 : vector<16xi1>, vector<16xi32>
      %parallel_loop3A_100 = arith.constant 101 : i32
      %parallel_loop3A_101 = vector.broadcast %parallel_loop3A_100 : i32 to vector<16xi32>
      %parallel_loop3A_102 = arith.select %parallel_loop3A_82, %parallel_loop3A_101, %parallel_loop3A_99 : vector<16xi1>, vector<16xi32>
      %parallel_loop3A_103 = arith.index_cast %parallel_loop3A_65 : i32 to index
      %parallel_loop3A_104 = tpu.vector_load %arg13[%parallel_loop3A_103] {strides = array<i32>} : memref<256xi32, #tpu.memory_space<vmem>>, vector<16xi32>,
      tpu.vector_store %arg13[%parallel_loop3A_103], %parallel_loop3A_102 {strides = array<i32>} : memref<256xi32, #tpu.memory_space<vmem>>, vector<16xi32>,
    } {sc.loop_unroll_factor = 2 : i64, sc.parallel_access}
    %dma_start3A_49 = tpu.memref_slice %arg6[%arg1, %mul3A_23] : memref<16x512xi32, #tpu.memory_space<hbm>> -> memref<1x256xi32, #tpu.memory_space<hbm>>
    %dma_start3A_50 = tpu.memref_squeeze %dma_start3A_49 : memref<1x256xi32, #tpu.memory_space<hbm>> -> memref<256xi32, #tpu.memory_space<hbm>>
    %dma_start3A_51 = tpu.memref_slice %arg6[%arg1, %mul3A_23] : memref<16x512xi32, #tpu.memory_space<hbm>> -> memref<1x256xi32, #tpu.memory_space<hbm>>
    %dma_start3A_52 = tpu.memref_squeeze %dma_start3A_51 : memref<1x256xi32, #tpu.memory_space<hbm>> -> memref<256xi32, #tpu.memory_space<hbm>>
    tpu.enqueue_dma source(%arg13 : memref<256xi32, #tpu.memory_space<vmem>>) target(%dma_start3A_52 : memref<256xi32, #tpu.memory_space<hbm>>) target_semaphore(%arg16 : memref<!tpu.dma_semaphore, #tpu.memory_space<semaphore_mem>>)
    %dma_wait3A_53 = tpu.memref_slice %arg7[%arg1, %mul3A_23] : memref<16x512xi32, #tpu.memory_space<hbm>> -> memref<1x256xi32, #tpu.memory_space<hbm>>
    %dma_wait3A_54 = tpu.memref_squeeze %dma_wait3A_53 : memref<1x256xi32, #tpu.memory_space<hbm>> -> memref<256xi32, #tpu.memory_space<hbm>>
    %dma_wait3A_55 = tpu.memref_slice %arg7[%arg1, %mul3A_23] : memref<16x512xi32, #tpu.memory_space<hbm>> -> memref<1x256xi32, #tpu.memory_space<hbm>>
    %dma_wait3A_56 = tpu.memref_squeeze %dma_wait3A_55 : memref<1x256xi32, #tpu.memory_space<hbm>> -> memref<256xi32, #tpu.memory_space<hbm>>
    tpu.wait_dma2 semaphore(%arg16 : memref<!tpu.dma_semaphore, #tpu.memory_space<semaphore_mem>>) src(%arg14 : memref<256xi32, #tpu.memory_space<vmem>>) dst(%dma_wait3A_56 : memref<256xi32, #tpu.memory_space<hbm>>)
    %dma_wait3A_57 = tpu.memref_slice %arg8[%arg1, %mul3A_23] : memref<16x512xi32, #tpu.memory_space<hbm>> -> memref<1x256xi32, #tpu.memory_space<hbm>>
    %dma_wait3A_58 = tpu.memref_squeeze %dma_wait3A_57 : memref<1x256xi32, #tpu.memory_space<hbm>> -> memref<256xi32, #tpu.memory_space<hbm>>
    %dma_wait3A_59 = tpu.memref_slice %arg8[%arg1, %mul3A_23] : memref<16x512xi32, #tpu.memory_space<hbm>> -> memref<1x256xi32, #tpu.memory_space<hbm>>
    %dma_wait3A_60 = tpu.memref_squeeze %dma_wait3A_59 : memref<1x256xi32, #tpu.memory_space<hbm>> -> memref<256xi32, #tpu.memory_space<hbm>>
    tpu.wait_dma2 semaphore(%arg16 : memref<!tpu.dma_semaphore, #tpu.memory_space<semaphore_mem>>) src(%arg15 : memref<256xi32, #tpu.memory_space<vmem>>) dst(%dma_wait3A_60 : memref<256xi32, #tpu.memory_space<hbm>>)
    %dma_wait3A_61 = tpu.memref_slice %arg6[%arg1, %mul3A_23] : memref<16x512xi32, #tpu.memory_space<hbm>> -> memref<1x256xi32, #tpu.memory_space<hbm>>
    %dma_wait3A_62 = tpu.memref_squeeze %dma_wait3A_61 : memref<1x256xi32, #tpu.memory_space<hbm>> -> memref<256xi32, #tpu.memory_space<hbm>>
    %dma_wait3A_63 = tpu.memref_slice %arg6[%arg1, %mul3A_23] : memref<16x512xi32, #tpu.memory_space<hbm>> -> memref<1x256xi32, #tpu.memory_space<hbm>>
    %dma_wait3A_64 = tpu.memref_squeeze %dma_wait3A_63 : memref<1x256xi32, #tpu.memory_space<hbm>> -> memref<256xi32, #tpu.memory_space<hbm>>
    tpu.wait_dma2 semaphore(%arg16 : memref<!tpu.dma_semaphore, #tpu.memory_space<semaphore_mem>>) src(%arg13 : memref<256xi32, #tpu.memory_space<vmem>>) dst(%dma_wait3A_64 : memref<256xi32, #tpu.memory_space<hbm>>)
    return
  }
}

</mosaic_0001>

<sc_bundles>
// kernel: kernel.3.cloned.1.call-start
scs
__scs_entry_jumppad:
0x0: {  	(pc) =	sbr.rel $0x88, $3  }
0x1: {  	(tag) =	ssettag $0x0;
	lr =	simm.s32 $0x1  }
0x2: {  	[smem:$0x3F9D] =	sst lr;
	_ =	strace $0xD0000000  }
0x3: {  	_ = 	snop  }
0x4: {  	_ = 	snop  }
0x5: {  	_ = 	snop  }
0x6: {  	_ = 	snop  }
0x7: {  	_ = 	snop  }
__scs_overlays_trampoline_lowered:
0x8: {  	[smem:$0x3FAC] =	sst s0  }
0x9: {  	[smem:$0x3FAD] =	sst s1  }
0xa: {  	[smem:$0x3FAE] =	sst s2  }
0xb: {  	[smem:$0x3FAF] =	sst s3  }
0xc: {  	[smem:$0x3FB0] =	sst s4  }
0xd: {  	[smem:$0x3FB1] =	sst s5  }
0xe: {  	[smem:$0x3FB2] =	sst s6  }
0xf: {  	[smem:$0x3FB3] =	sst s7  }
0x10: {  	[smem:$0x3FB4] =	sst s8  }
0x11: {  	[smem:$0x3FB5] =	sst s9;
	s0 =	simm.s32 @!p0 $0x0  }
0x12: {  	s1 =	sld [smem:$0x3F9B];
	s0 =	simm.s32 @p0 $0x1  }
0x13: {  	[smem:$0x3FB6] =	sst s0;
	s0 =	simm.s32 @!p1 $0x0  }
0x14: {  	s2 =	sld [smem:$0x3F9A];
	s0 =	simm.s32 @p1 $0x1  }
0x15: {  	[smem:$0x3FB7] =	sst s0;
	s0 =	simm.s32 @!p2 $0x0  }
0x16: {  	s3 =	sld [smem:$0x3FDB];
	s0 =	simm.s32 @p2 $0x1  }
0x17: {  	s4 =	simm.s32 $0x1BF5;
	[smem:$0x3FB9] =	sst s0  }
0x18: {  	s0 =	sld [smem:$0x3F9C];
	_ =	swait.ge [sflag:s4], $0x0  }
0x19: {  	s7 =	sld [smem:$0x3F9D]  }
0x1a: {  	s8 =	sadd.s32 $0xFFFFE003, lr  }
0x1b: {  	s9 =	sadd.s32 $0xFFFFFEF7, lr;
	s5 =	simm.s32 $0xFFFFFFFF;
	p2 =	slt.u32 s8, $0xFFFFF086  }
0x1c: {  	p1 =	slt.u32 s9, $0xF7A;
	s5 =	simm.s32 @!p2 $0x0  }
0x1d: {  	s5 =	simm.s32 @p1 $0x1;
	p0 =	seq.s32 s7, s2  }
0x1e: {  	s7 =	smul.u32 @!p0 $0xF7A, s2;
	p2 =	seq.s32 @!p0 s5, $0x0  }
0x1f: {  	s9 =	smul.u32 $0xF7A, s1;
	s8 =	simm.s32 @!p0 $0x1BF5;
	p2 =	por !p2, p0  }
0x20: {  	[sflag:s8] =	ssyncset.s32 @!p0 $0xFFFFF086;
	s6 =	sadd.s32 @!p0 s3, s7;
	s7 =	simm.s32 @!p0 $0x108  }
0x21: {  	s3 =	sadd.s32 s3, s9;
	s6 =	sadd.s32 @!p0 $0x88, s6;
	s7 =	simm.s32 @p2 $0x1082  }
0x22: {  	[simem:s7], [sflag:s8] =	dma.local @!p0 [hbm:s6], $0xF7A  }
0x23: {  	s9 =	sor.u32 $0xD0000000, s2;
	s6 =	simm.s32 $0x108;
	_ =	swait.ge @!p0 [sflag:s8], $0x0  }
0x24: {  	s3 =	sadd.s32 $0x88, s3;
	s6 =	simm.s32 @!p1 $0x1082;
	[sflag:s4] =	ssyncset.s32 $0xFFFFF086  }
0x25: {  	[simem:s6], [sflag:s4] =	dma.local [hbm:s3], $0xF7A  }
0x26: {  	[smem:$0x3F9D] =	sst s1;
	(tag) =	ssettag s2;
	_ =	strace s9  }
0x27: {  	s1 =	sld [smem:$0x3FAD]  }
0x28: {  	s2 =	sld [smem:$0x3FAE]  }
0x29: {  	s4 =	sld [smem:$0x3FB0]  }
0x2a: {  	p0 =	seq.s32 s5, $0x0;
	s5 =	sld [smem:$0x3FB1]  }
0x2b: {  	s6 =	sld [smem:$0x3FB2]  }
0x2c: {  	s7 =	sld [smem:$0x3FB3]  }
0x2d: {  	s3 =	simm.s32 $0x108;
	s8 =	sld [smem:$0x3FB4]  }
0x2e: {  	s3 =	simm.s32 @!p0 $0x1082;
	s9 =	sld [smem:$0x3FB5]  }
0x2f: {  	lr =	sadd.s32 s0, s3;
	s0 =	sld [smem:$0x3FAC]  }
0x30: {  	s3 =	sld [smem:$0x3FAF]  }
0x31: {  	[smem:$0x3FB8] =	sst s10  }
0x32: {  	s10 =	sld [smem:$0x3FB6];
	_ =	sdelay $0x3  }
0x33: {  	p0 =	seq.s32 s10, $0x1;
	s10 =	sld [smem:$0x3FB8];
	_ =	sdelay $0x3  }
0x34: {  	[smem:$0x3FB8] =	sst s10  }
0x35: {  	s10 =	sld [smem:$0x3FB7];
	_ =	sdelay $0x3  }
0x36: {  	p1 =	seq.s32 s10, $0x1;
	s10 =	sld [smem:$0x3FB8];
	_ =	sdelay $0x3  }
0x37: {  	[smem:$0x3FB8] =	sst s10  }
0x38: {  	s10 =	sld [smem:$0x3FB9]  }
0x39: {  	_ = 	snop;
	(pc) =	sbr.ind lr, $3  }
0x3a: {  	_ = 	snop  }
0x3b: {  	_ = 	snop  }
0x3c: {  	p2 =	seq.s32 s10, $0x1;
	s10 =	sld [smem:$0x3FB8]  }
0x3d: {  	_ =	shalt  }
0x3e: {  	_ =	shalt  }
0x3f: {  	_ =	shalt  }
0x40: {  	_ =	shalt  }
0x41: {  	_ =	shalt  }
0x42: {  	_ =	shalt  }
0x43: {  	_ =	shalt  }
0x44: {  	_ =	shalt  }
0x45: {  	_ =	shalt  }
0x46: {  	_ =	shalt  }
0x47: {  	_ =	shalt  }
0x48: {  	_ =	shalt  }
0x49: {  	_ =	shalt  }
0x4a: {  	_ =	shalt  }
0x4b: {  	_ =	shalt  }
0x4c: {  	_ =	shalt  }
0x4d: {  	_ =	shalt  }
0x4e: {  	_ =	shalt  }
0x4f: {  	_ =	shalt  }
0x50: {  	_ =	shalt  }
0x51: {  	_ =	shalt  }
0x52: {  	_ =	shalt  }
0x53: {  	_ =	shalt  }
0x54: {  	_ =	shalt  }
0x55: {  	_ =	shalt  }
0x56: {  	_ =	shalt  }
0x57: {  	_ =	shalt  }
0x58: {  	_ =	shalt  }
0x59: {  	_ =	shalt  }
0x5a: {  	_ =	shalt  }
0x5b: {  	_ =	shalt  }
0x5c: {  	_ =	shalt  }
0x5d: {  	_ =	shalt  }
0x5e: {  	_ =	shalt  }
0x5f: {  	_ =	shalt  }
0x60: {  	_ =	shalt  }
0x61: {  	_ =	shalt  }
0x62: {  	_ =	shalt  }
0x63: {  	_ =	shalt  }
0x64: {  	_ =	shalt  }
0x65: {  	_ =	shalt  }
0x66: {  	_ =	shalt  }
0x67: {  	_ =	shalt  }
0x68: {  	_ =	shalt  }
0x69: {  	_ =	shalt  }
0x6a: {  	_ =	shalt  }
0x6b: {  	_ =	shalt  }
0x6c: {  	_ =	shalt  }
0x6d: {  	_ =	shalt  }
0x6e: {  	_ =	shalt  }
0x6f: {  	_ =	shalt  }
0x70: {  	_ =	shalt  }
0x71: {  	_ =	shalt  }
0x72: {  	_ =	shalt  }
0x73: {  	_ =	shalt  }
0x74: {  	_ =	shalt  }
0x75: {  	_ =	shalt  }
0x76: {  	_ =	shalt  }
0x77: {  	_ =	shalt  }
0x78: {  	_ =	shalt  }
0x79: {  	_ =	shalt  }
0x7a: {  	_ =	shalt  }
0x7b: {  	_ =	shalt  }
0x7c: {  	_ =	shalt  }
0x7d: {  	_ =	shalt  }
0x7e: {  	_ =	shalt  }
0x7f: {  	_ =	shalt  }
0x80: {  	_ =	shalt  }
0x81: {  	_ =	shalt  }
0x82: {  	_ =	shalt  }
0x83: {  	_ =	shalt  }
0x84: {  	_ =	shalt  }
0x85: {  	_ =	shalt  }
0x86: {  	_ =	shalt  }
0x87: {  	_ =	shalt  }
.Lfunc_end0:
.L_simem_size_0:
called_computation_lowered:
.L_overlay_start_0:
0x88: {  	s2 =	sld [smem:$0x3FD9]  }
0x89: {  	s3 =	sld [smem:$0x3FFE];
	_ =	sdelay $0x1  }
0x8a: {  	s1 =	srdreg.scid  }
0x8b: {  	s0 =	sand.u32 $0x1, s1  }
0x8c: {  	s15 =	sshll.u32 s0, $0xA;
	s2 =	sadd.s32 s3, s2  }
0x8d: {  	s2 =	sadd.s32 s2, s15  }
0x8e: {  	[smem:$0x3FC4] =	sst s2  }
0x8f: {  	_ = 	snop  }
0x90: {  	s2 =	sld [smem:$0x3FC9]  }
0x91: {  	s16 =	sld [smem:$0x3FD0]  }
0x92: {  	s4 =	sld [smem:$0x3FC8]  }
0x93: {  	s5 =	sld [smem:$0x3FC7]  }
0x94: {  	s7 =	simm.s32 $0xA;
	s8 =	simm.s32 $0x10;
	s6 =	sld [smem:$0x3FC6]  }
0x95: {  	[smem:s8], [sflag:s7] =	dma.local [hbm:s16], $0x1  }
0x96: {  	_ =	swait.eq [sflag:s7], $0x1  }
0x97: {  	s17 =	sld [smem:$0x10];
	[sflag:s7] =	ssyncset.done $0x0  }
0x98: {  	s18 =	sld [smem:$0x11];
	[sflag:s7] =	ssyncadd.s32 $0xFFFFFFFF  }
0x99: {  	s19 =	sld [smem:$0x12];
	(tm) =	ssettm $0x1  }
0x9a: {  	s9 =	sld [smem:$0x3FFB];
	_ =	sdelay $0x3  }
0x9b: {  	_ =	strace s9  }
0x9c: {  	s9 =	sld [smem:$0x3FFC];
	_ =	sdelay $0x3  }
0x9d: {  	_ =	strace s9  }
0x9e: {  	s9 =	sld [smem:$0x3FFD];
	_ =	sdelay $0x3  }
0x9f: {  	_ =	strace s9  }
0xa0: {  	_ =	strace $0x8FFFFFFF  }
0xa1: {  	s20 =	sld [smem:$0x3FDB];
	_ =	sdelay $0x1  }
0xa2: {  	s10 =	simm.s32 $_scs_section_size  }
0xa3: {  	s11 =	simm.s32 $_size__tile_overlayer_lowered;
	s12 =	simm.s32 $_tile_overlayer_lowered  }
0xa4: {  	s23 =	simm.s32 $0x1BFF;
	s22 =	sshll.u32 s12, $0x1;
	s9 =	sadd.s32 s10, s20  }
0xa5: {  	s13 =	simm.s32 $0x0;
	s21 =	sshll.u32 s11, $0x1;
	s11 =	sadd.s32 s22, s9  }
0xa6: {  	[timem:s13], [sflag:s23] =	dma.local [hbm:s11], s21  }
0xa7: {  	_ =	swait.ge [sflag:s23], s21  }
0xa8: {  	s10 =	ssub.s32 $0x0, s21;
	[sflag:s23] =	ssyncset.done $0x0  }
0xa9: {  	[sflag:s23] =	ssyncadd.s32 s10;
	_ =	sdelay $0x1  }
0xaa: {  	s24 =	simm.s32 $0x1B8B  }
0xab: {  	_ =	swait.ge [sflag:s24], $0x1  }
0xac: {  	[sflag:s24] =	ssyncset.done $0x0  }
0xad: {  	s25 =	simm.s32 $0x1B8E;
	[sflag:s24] =	ssyncadd.s32 $0xFFFFFFFF  }
0xae: {  	s26 =	simm.s32 $execute0_lowered;
	[smem:$0x3FD2] =	sst s25  }
0xaf: {  	s10 =	sshll.u32 s26, $0x1;
	_ =	strace $0x80000046;
	[dreg:$0x1] =	wrdreg $0xFFFFFFFF  }
0xb0: {  	s28 =	simm.s32 $_size_execute0_lowered;
	s9 =	sadd.s32 s9, s10;
	[dreg:$0x0] =	wrdreg $0x0  }
0xb1: {  	s10 =	sshll.u32 s28, $0x1;
	[dreg:$0x2] =	wrdreg s9  }
0xb2: {  	[dreg:$0x3] =	wrdreg s10  }
0xb3: {  	[dreg:$0x4] =	wrdreg $0xC0  }
0xb4: {  	_ =	task [dreg:s13], $0x5FFFF  }
0xb5: {  	[dreg:$0x1] =	wrdreg $0xFFFFFFFF  }
0xb6: {  	[dreg:$0x0] =	wrdreg $0x60  }
0xb7: {  	[dreg:$0x2] =	wrdreg s2  }
0xb8: {  	[dreg:$0x3] =	wrdreg s4  }
0xb9: {  	[dreg:$0x4] =	wrdreg s5  }
0xba: {  	[dreg:$0x5] =	wrdreg s6  }
0xbb: {  	[dreg:$0x6] =	wrdreg s17  }
0xbc: {  	[dreg:$0x7] =	wrdreg s18  }
0xbd: {  	[dreg:$0x8] =	wrdreg s19  }
0xbe: {  	[dreg:$0x9] =	wrdreg $0x9  }
0xbf: {  	_ =	task.clear_ibuf [dreg:s13], $0xAFFFF;
	_ =	strace $0x90000046  }
0xc0: {  	s29 =	simm.s32 $0x9;
	_ =	strace $0x80000048  }
0xc1: {  	_ =	swait.ge [sflag:s29], $0x1  }
0xc2: {  	[sflag:s29] =	ssyncadd.s32 $0xFFFFFFFF  }
0xc3: {  	_ =	strace $0x90000048  }
0xc4: {  	_ =	sfence  }
0xc5: {  	s30 =	sld [smem:$0x0];
	_ =	sdelay $0x2  }
0xc6: {  	s31 =	sshll.u32 s1, $0xD;
	s1 =	sshrl.u32 s1, $0x2  }
0xc7: {  	s3 =	sand.u32 $0x4000, s31;
	s1 =	sadd.s32 s1, s30  }
0xc8: {  	s0 =	sor.u32 s3, s0;
	s1 =	sshll.u32 s1, $0x11  }
0xc9: {  	s0 =	sor.u32 s1, s0  }
0xca: {  	s0 =	sadd.s32 $0x8F2B, s0  }
0xcb: {  	[sflag:s0] =	ssyncadd.remote.s32 $0x1  }
0xcc: {  	_ =	sfence.sel $0xFFFF  }
0xcd: {  	[dreg:$0x0] =	wrdreg $0xFFFFFFFF;
	(pc) =	sbr.abs _section_cstart, $3  }
0xce: {  	[dreg:$0x1] =	wrdreg $0xFFFFFFFF  }
0xcf: {  	_ =	task.clear_ibuf [dreg:s13], $0x2FFFF;
	_ =	strace $0x9FFFFFFF  }
0xd0: {  	(tm) =	ssettm $0x7FFFFFFF  }
0xd1: {  	_ =	shalt  }
tec
execute0_lowered:
.L_overlay_start_1:
0x0: {  	(tag) =	ssettag $0x1  }
0x1: {  	s5 =	rddreg [dreg:$0x0]  }
0x2: {  	s1 =	rddreg [dreg:$0x1]  }
0x3: {  	s6 =	rddreg [dreg:$0x2]  }
0x4: {  	s2 =	rddreg [dreg:$0x3]  }
0x5: {  	s10 =	rddreg [dreg:$0x4]  }
0x6: {  	s8 =	rddreg [dreg:$0x5]  }
0x7: {  	s9 =	rddreg [dreg:$0x6]  }
0x8: {  	s0 =	rddreg [dreg:$0x7];
	s4 =	simm.s32 $0x0  }
0x9: {  	s3 =	stileid.u32;
	s7 =	srdreg.scid;
	s16 =	simm.s32 $0x1  }
0xa: {  	s17 =	simm.s32 $0x600;
	s18 =	simm.s32 $0x700;
	s19 =	simm.s32 $0x500  }
0xb: {  	s20 =	simm.s32 $0x0;
	[smem:$0x7FF] =	sst s4;
	s11 =	sshll.u32 s3, $0x9  }
0xc: {  	s12 =	sshll.u32 s3, $0x7;
	s7 =	sand.u32 $0x1, s7;
	_ =	strace $0x80000047  }
0xd: {  	s11 =	sand.u32 $0x1000, s11;
	s12 =	sand.u32 $0x380, s12;
	s13 =	ssub.s32 $0x2, s7  }
0xe: {  	s30 =	sshll.u32 s7, $0xB;
	s7 =	sshll.u32 s7, $0x8;
	s11 =	sor.u32 s12, s11  }
0xf: {  	s14 =	sshrl.u32 s13, $0x1;
	s12 =	simm.s32 $0x400;
	s15 =	sshrl.u32 s11, $0x3  }
0x10: {  	s11 =	sor.u32 s30, s11;
	s31 =	ssub.s32 s13, s14;
	s13 =	simm.s32 $0x480  }
0x11: {  	s14 =	simm.s32 $0x80;
	s5 =	sadd.s32 s5, s15;
	s11 =	sshrl.u32 s11, $0x3  }
0x12: {  	v0 =	vlaneseq.u32;
	s6 =	sadd.s32 s6, s15;
	s15 =	simm.s32 $0x200;
	s8 =	sadd.s32 s8, s11  }
0x13: {  	v2 =	vimm.s32 $0x0;
	v1 =	vmov s3;
	v3 =	vadd.s32 $0xFFFFFFFF, v0;
	s9 =	sadd.s32 s9, s11;
	s10 =	sadd.s32 s10, s11;
	s11 =	smax.u32 s31, $0x1  }
.LBB2_1:
0x14: {  	[tilespmem:s12], [sflag:$0x1] =	stream.linear.gather [hbm4b:s1+s4], $0x80, $0x38;
	[tilespmem:$0x800] =	vst v63  }
0x15: {  	_ = 	snop  }
0x16: {  	[tilespmem:s13], [sflag:$0x1] =	stream.linear.gather [hbm4b:s2+s4], $0x80, $0x38;
	[tilespmem:$0x800] =	vst v63  }
0x17: {  	_ = 	snop  }
0x18: {  	[tilespmem:s4], [sflag:$0x1] =	stream.strided.gather [hbm4b:s5+s14], $0x200, s12, s14, $0x38;
	[tilespmem:$0x800] =	vst v63  }
0x19: {  	_ = 	snop  }
0x1a: {  	[tilespmem:s15], [sflag:$0x1] =	stream.strided.gather [hbm4b:s6+s14], $0x200, s12, s14, $0x38;
	[tilespmem:$0x800] =	vst v63  }
0x1b: {  	_ =	swait.ge [sflag:s16], $0x80  }
0x1c: {  	[sflag:s16] =	ssyncset.done $0x0  }
0x1d: {  	[sflag:s16] =	ssyncadd.s32 $0xFFFFFF80  }
0x1e: {  	_ =	swait.ge [sflag:s16], $0x80  }
0x1f: {  	[sflag:s16] =	ssyncset.done $0x0  }
0x20: {  	[sflag:s16] =	ssyncadd.s32 $0xFFFFFF80  }
0x21: {  	v4 =	vld.idx.msk [tilespmem:v1+s12+$0x0], $0xffff;
	_ =	sdelay $0x2  }
0x22: {  	v5 =	vld.idx.msk [tilespmem:v1+s13+$0x0], $0xffff;
	_ =	sdelay $0x1  }
0x23: {  	vm0 =	vlt.s32 v4, $0x1FD  }
0x24: {  	v4 =	vnsel vm0, $0x1FD, v4  }
0x25: {  	v6 =	vsub.s32 $0x1FD, v4  }
0x26: {  	s21 =	sadd.s32 $0xFFFFFFE0, s7;
	vm0 =	vlt.s32 v5, v6  }
0x27: {  	s22 =	sadd.s32 $0x20, s21;
	s21 =	sadd.s32 $0x30, s21;
	v5 =	vsel vm0, v5, v6;
	v6 =	vadd.s32 $0x2, v4  }
0x28: {  	v7 =	vor.u32 s22, v0;
	v8 =	vor.u32 s21, v0;
	v5 =	vadd.s32 v6, v5  }
0x29: {  	vm1 =	vge.s32 v7, v6;
	vm0 =	vle.s32 v7, v5;
	vm2 =	vle.s32 v8, v5  }
0x2a: {  	s23 =	simm.s32 $0x710;
	s24 =	simm.s32 $0x0;
	s22 =	simm.s32 $0x610;
	v7 =	vsel vm0, $0x1, v2;
	vm0 =	vmand vm1, vm0;
	vm1 =	vge.s32 v8, v6  }
0x2b: {  	s25 =	simm.s32 $0x20;
	s26 =	simm.s32 $0x610;
	s21 =	simm.s32 $0x730;
	[tilespmem:s22+$0xFFFFFFF0] =	vst v7;
	v8 =	vsel vm0, $0x1, v2;
	v7 =	vsel vm2, $0x1, v2;
	vm0 =	vmand vm1, vm2  }
.LBB2_2:
0x2c: {  	s28 =	sadd.s32 s24, s7;
	s24 =	smov.u32 s25;
	s25 =	sadd.s32 $0x20, s25  }
0x2d: {  	[tilespmem:s23+$0xFFFFFFF0] =	vst v8;
	v8 =	vsel vm0, $0x1, v2;
	s22 =	sadd.s32 $0x20, s22;
	p0 =	slt.u32 s25, $0xE0  }
.Ltmp0:
0x2e: {  	s29 =	sadd.s32 $0x20, s28;
	s28 =	sadd.s32 $0x30, s28;
	[tilespmem:s26+$0x0] =	vst v7;
	(pc) =	sbr.rel @p0 .LBB2_2-.Ltmp0, $4  }
0x2f: {  	s26 =	smov.u32 s22;
	v7 =	vor.u32 s29, v0;
	v9 =	vor.u32 s28, v0;
	[tilespmem:s23+$0x0] =	vst v8;
	s23 =	smov.u32 s21  }
0x30: {  	vm0 =	vle.s32 v7, v5;
	vm1 =	vge.s32 v7, v6;
	vm2 =	vle.s32 v9, v5  }
0x31: {  	v7 =	vsel vm0, $0x1, v2;
	vm0 =	vmand vm1, vm0;
	vm1 =	vge.s32 v9, v6  }
0x32: {  	s21 =	sadd.s32 $0x20, s21;
	[tilespmem:s22+$0xFFFFFFF0] =	vst v7;
	v8 =	vsel vm0, $0x1, v2;
	v7 =	vsel vm2, $0x1, v2;
	vm0 =	vmand vm1, vm2  }
0x33: {  	s24 =	sadd.s32 s24, s7  }
0x34: {  	s25 =	sadd.s32 $0x20, s24  }
0x35: {  	[tilespmem:s23+$0xFFFFFFF0] =	vst v8;
	v8 =	vor.u32 s25, v0  }
0x36: {  	v9 =	vsel vm0, $0x1, v2;
	[tilespmem:s26+$0x0] =	vst v7;
	s24 =	sadd.s32 $0x30, s24;
	vm0 =	vle.s32 v8, v5;
	vm1 =	vge.s32 v8, v6  }
0x37: {  	s22 =	sadd.s32 $0x20, s22;
	[tilespmem:s23+$0x0] =	vst v9;
	v7 =	vor.u32 s24, v0;
	v8 =	vsel vm0, $0x1, v2;
	vm0 =	vmand vm1, vm0  }
0x38: {  	vm2 =	vge.s32 v7, v6;
	vm1 =	vle.s32 v7, v5;
	[tilespmem:s22+$0xFFFFFFF0] =	vst v8;
	v7 =	vsel vm0, $0x1, v2  }
0x39: {  	v8 =	vsel vm1, $0x1, v2;
	vm0 =	vmand vm2, vm1;
	[tilespmem:s21+$0xFFFFFFF0] =	vst v7  }
0x3a: {  	s28 =	sadd.s32 $0xFFFFFFE0, s7;
	v7 =	vsel vm0, $0x1, v2;
	[tilespmem:s22+$0x0] =	vst v8  }
0x3b: {  	s30 =	sadd.s32 $0x0, s7;
	s29 =	sadd.s32 $0x20, s28;
	[tilespmem:s21+$0x0] =	vst v7  }
0x3c: {  	[hbm4b:s8+s14] =	stream.strided.scatter [tilespmem:s17], [sflag:$0x1], $0x100, s12, s14, $0x38;
	[tilespmem:$0x800] =	vst v63  }
0x3d: {  	s31 =	sadd.s32 $0x20, s30;
	v11 =	vadd.s32 s29, v3;
	v8 =	vor.u32 s29, v0;
	s21 =	sadd.s32 $0x30, s28  }
0x3e: {  	v14 =	vmov s29;
	v10 =	vsub.s32 v8, v6;
	v9 =	vor.u32 s21, v0;
	[hbm4b:s9+s14] =	stream.strided.scatter [tilespmem:s18], [sflag:$0x1], $0x100, s12, s14, $0x38;
	[tilespmem:$0x800] =	vst v63  }
0x3f: {  	v63 =	vmov s31;
	vm0 =	vgt.s32 v10, $0x0;
	v12 =	vsub.s32 v9, v6;
	_ =	swait.ge [sflag:s16], $0x200  }
0x40: {  	v7 =	vadd.s32 $0x1, v4;
	v10 =	vnsel vm0, $0x0, v10;
	vm1 =	vgt.s32 v12, $0x0;
	[sflag:s16] =	ssyncset.done $0x0  }
0x41: {  	vm4 =	veq.s32 v8, v5;
	vm5 =	vgt.s32 v8, v4;
	v12 =	vnsel vm1, $0x0, v12;
	[sflag:s16] =	ssyncadd.s32 $0xFFFFFE00  }
0x42: {  	v13 =	vadd.s32 s21, v3;
	vm7 =	veq.s32 v8, v7;
	vm0 =	vgt.s32 v11, $0x0;
	_ =	swait.ge [sflag:s16], $0x200  }
0x43: {  	v17 =	vsel vm4, $0x66, v2;
	vm2 =	vgt.s32 v9, v4;
	v11 =	vnsel vm0, $0x0, v11;
	[sflag:s16] =	ssyncset.done $0x0  }
0x44: {  	vm3 =	veq.s32 v9, v5;
	vm6 =	vlt.s32 v9, v5;
	vm1 =	vgt.s32 v13, $0x0;
	[sflag:s16] =	ssyncadd.s32 $0xFFFFFE00  }
0x45: {  	vm0 =	veq.s32 v14, v0;
	v15 =	vsel vm3, $0x66, v2;
	v13 =	vnsel vm1, $0x0, v13;
	v14 =	vld.idx.msk [tilespmem:v10+s15+$0x0], $0xffff  }
0x46: {  	s21 =	sadd.s32 $0x30, s30;
	vm3 =	vmmov vm2;
	vm2 =	vlt.s32 v8, v5;
	v8 =	vor.u32 s31, v0;
	v16 =	vld.idx.msk [tilespmem:v12+s15+$0x0], $0xffff  }
0x47: {  	vm1 =	veq.s32 v9, v7;
	v9 =	vor.u32 s21, v0;
	v10 =	vadd.s32 s31, v3  }
0x48: {  	v18 =	vsub.s32 v9, v6;
	v11 =	vld.idx.msk [tilespmem:v11+s4+$0x0], $0xffff;
	v12 =	vsub.s32 v8, v6;
	vm4 =	vgt.s32 v10, $0x0  }
0x49: {  	vm8 =	vgt.s32 v18, $0x0;
	v10 =	vnsel vm4, $0x0, v10;
	vm4 =	vgt.s32 v12, $0x0  }
0x4a: {  	v62 =	vadd.s32 s21, v3;
	v19 =	vld.idx.msk [tilespmem:v13+s4+$0x0], $0xffff;
	v13 =	vnsel vm4, $0x0, v12;
	v12 =	vnsel vm8, $0x0, v18  }
0x4b: {  	vm4 =	vgt.s32 v62, $0x0;
	v14 =	vsel vm2, v14, v17;
	v15 =	vsel vm6, v16, v15  }
0x4c: {  	vm2 =	vgt.s32 v9, v4;
	v14 =	vsel vm7, $0x66, v14;
	v15 =	vsel vm1, $0x66, v15  }
0x4d: {  	vm7 =	veq.s32 v9, v5;
	vm1 =	veq.s32 v9, v7;
	v14 =	vsel vm5, v14, v11  }
0x4e: {  	s21 =	simm.s32 $0x510;
	v11 =	vnsel vm4, $0x0, v62;
	vm4 =	veq.s32 v8, v5;
	v14 =	vsel vm0, $0x65, v14  }
0x4f: {  	s22 =	simm.s32 $0x20;
	v13 =	vld.idx.msk [tilespmem:v13+s15+$0x0], $0xffff;
	vm0 =	veq.s32 v63, v0;
	[tilespmem:s21+$0xFFFFFFF0] =	vst v14;
	v14 =	vsel vm3, v15, v19  }
.LBB2_4:
0x50: {  	vm5 =	vgt.s32 v8, v4  }
0x51: {  	s23 =	sadd.s32 s22, s7;
	s22 =	sadd.s32 $0x20, s22;
	v15 =	vld.idx.msk [tilespmem:v12+s15+$0x0], $0xffff;
	vm6 =	vlt.s32 v9, v5;
	v16 =	vsel vm7, $0x66, v2;
	[tilespmem:s21+$0x0] =	vst v14;
	s21 =	sadd.s32 $0x20, s21;
	vm3 =	vmmov vm2  }
0x52: {  	vm7 =	veq.s32 v8, v7;
	vm2 =	vlt.s32 v8, v5;
	v17 =	vsel vm4, $0x66, v2;
	s24 =	sadd.s32 $0x20, s23;
	s23 =	sadd.s32 $0x30, s23;
	p0 =	slt.u32 s22, $0xE0;
	v14 =	vld.idx.msk [tilespmem:v10+s4+$0x0], $0xffff  }
0x53: {  	v8 =	vor.u32 s24, v0;
	v10 =	vadd.s32 s24, v3;
	v9 =	vor.u32 s23, v0;
	v18 =	vld.idx.msk [tilespmem:v11+s4+$0x0], $0xffff  }
0x54: {  	vm4 =	vgt.s32 v10, $0x0;
	v11 =	vsub.s32 v8, v6;
	v12 =	vsub.s32 v9, v6  }
0x55: {  	v10 =	vnsel vm4, $0x0, v10;
	vm4 =	vgt.s32 v11, $0x0;
	vm8 =	vgt.s32 v12, $0x0  }
0x56: {  	v19 =	vnsel vm4, $0x0, v11;
	v12 =	vnsel vm8, $0x0, v12;
	v11 =	vsel vm2, v13, v17  }
.Ltmp1:
0x57: {  	v13 =	vadd.s32 s23, v3;
	vm2 =	vgt.s32 v9, v4;
	v11 =	vsel vm7, $0x66, v11;
	(pc) =	sbr.rel @p0 .LBB2_4-.Ltmp1, $4  }
0x58: {  	v15 =	vsel vm6, v15, v16;
	vm4 =	vgt.s32 v13, $0x0;
	v14 =	vsel vm5, v11, v14  }
0x59: {  	v11 =	vnsel vm4, $0x0, v13;
	v13 =	vsel vm0, $0x65, v14;
	v14 =	vsel vm1, $0x66, v15  }
0x5a: {  	vm7 =	veq.s32 v9, v5;
	vm4 =	veq.s32 v8, v5;
	v15 =	vmov s24;
	[tilespmem:s21+$0xFFFFFFF0] =	vst v13  }
0x5b: {  	vm1 =	veq.s32 v9, v7;
	vm0 =	veq.s32 v15, v0;
	v14 =	vsel vm3, v14, v18;
	v13 =	vld.idx.msk [tilespmem:v19+s15+$0x0], $0xffff  }
0x5c: {  	_ =	sdelay $0x3  }
0x5d: {  	v6 =	vld.idx.msk [tilespmem:v12+s15+$0x0], $0xffff  }
0x5e: {  	v10 =	vld.idx.msk [tilespmem:v10+s4+$0x0], $0xffff;
	_ =	sdelay $0x1  }
0x5f: {  	vm3 =	vlt.s32 v8, v5;
	v63 =	vsel vm4, $0x66, v2;
	v11 =	vld.idx.msk [tilespmem:v11+s4+$0x0], $0xffff  }
0x60: {  	vm14 =	vgt.s32 v8, v4;
	vm5 =	veq.s32 v8, v7;
	v4 =	vsel vm3, v13, v63  }
0x61: {  	vm15 =	vlt.s32 v9, v5;
	v5 =	vsel vm7, $0x66, v2;
	v4 =	vsel vm5, $0x66, v4  }
0x62: {  	v5 =	vsel vm15, v6, v5;
	v4 =	vsel vm14, v4, v10  }
0x63: {  	[tilespmem:s21+$0x0] =	vst v14;
	s31 =	sadd.s32 $0x20, s21;
	vm2 =	vmmov vm2;
	v5 =	vsel vm1, $0x66, v5;
	v4 =	vsel vm0, $0x65, v4  }
0x64: {  	[tilespmem:s31+$0xFFFFFFF0] =	vst v4;
	v4 =	vsel vm2, v5, v11  }
0x65: {  	[tilespmem:s31+$0x0] =	vst v4  }
0x66: {  	[hbm4b:s10+s14] =	stream.strided.scatter [tilespmem:s19], [sflag:$0x1], $0x100, s12, s14, $0x38;
	[tilespmem:$0x800] =	vst v63  }
0x67: {  	_ =	swait.ge [sflag:s16], $0x100  }
0x68: {  	[sflag:s16] =	ssyncset.done $0x0  }
0x69: {  	s20 =	sadd.s32 $0x1, s20;
	[sflag:s16] =	ssyncadd.s32 $0xFFFFFF00  }
0x6a: {  	p0 =	sne.s32 s20, s11;
	_ =	swait.ge [sflag:s16], $0x100  }
.Ltmp2:
0x6b: {  	[sflag:s16] =	ssyncset.done $0x0;
	(pc) =	sbr.rel @p0 .LBB2_1-.Ltmp2, $4  }
0x6c: {  	[sflag:s16] =	ssyncadd.s32 $0xFFFFFF00  }
0x6d: {  	_ =	swait.ge [sflag:s16], $0x100  }
0x6e: {  	[sflag:s16] =	ssyncset.done $0x0  }
0x6f: {  	[sflag:s16] =	ssyncadd.s32 $0xFFFFFF00  }
0x70: {  	_ =	sfence.sel $0x180000  }
0x71: {  	[bflag:$0x0] =	sbarrier.arrive $0xFFFF  }
0x72: {  	p0 =	sne.s32 s3, $0x0;
	_ =	strace $0x90000047  }
0x73: {  	s0 =	sadd.s32 @!p0 $0x100000, s0;
	[bflag:$0x2] =	sbarrier.arrive $0xFFFF  }
0x74: {  	[sflag:s0] =	ssyncadd.tile.s32 @!p0 $0x1;
	_ =	shalt  }
.Lfunc_end2:
_tile_overlayer_lowered:
.L_overlay_start_2:
0x75: {  	(tag) =	ssettag $0x2  }
0x76: {  	s0 =	rddreg [dreg:$0x0];
	s2 =	stileid.u32  }
0x77: {  	s1 =	rddreg [dreg:$0x1];
	p0 =	sne.s32 s2, $0x0  }
0x78: {  	s3 =	rddreg [dreg:$0x2];
	[bflag:$0x3] =	sbarrier.arrive $0xFFFF;
	s2 =	simm.s32 @!p0 $0x1C02  }
0x79: {  	[timem:s3], [sflag:s2] =	dma.local @!p0 [hbm:s0], s1  }
0x7a: {  	s0 =	simm.s32 @!p0 $0x2  }
0x7b: {  	_ =	swait.ge @!p0 [sflag:s0], s1  }
0x7c: {  	s1 =	ssub.s32 @!p0 $0x0, s1;
	[sflag:s0] =	ssyncset.done @!p0 $0x0  }
0x7d: {  	[sflag:s0] =	ssyncadd.s32 @!p0 s1  }
0x7e: {  	[bflag:$0x3] =	sbarrier.arrive $0xFFFF  }
0x7f: {  	_ =	shalt  }

</sc_bundles>
